<compile_context>
chip_gen: v7x
topology: tpu7x:2x2x1
jax: 0.10.2.dev20260603
libtpu: 0.0.44.dev20260713+nightly
codegen_flags: <defaults>
</compile_context>

<pallas_src>
import jax
import jax.numpy as jnp
from jax.experimental import pallas as pl
from jax.experimental.pallas import tpu as pltpu

_G, _K, _D, _B = 4, 8192, 32, 2048
_CC = 0.25
_BB = 128
_NB = _B // _BB


def _vq_kernel(x_ref, w_ref, w2_ref, oh_ref, emb_ref, qst_ref, loss_ref,
               idx_ref):
    b = pl.program_id(1)
    first = jnp.logical_and(pl.program_id(0) == 0, b == 0)

    x = x_ref[0]
    w = w_ref[0]

    x2 = jax.lax.dot_general(x * x, jnp.ones((_D, 1), jnp.float32),
                             (((1,), (0,)), ((), ())),
                             preferred_element_type=jnp.float32)

    x2x = x + x
    _C = 2048
    _NC = _K // _C
    lane = jax.lax.broadcasted_iota(jnp.int32, (1, _C), 1)

    minv = jnp.full((_BB, _C), jnp.inf, jnp.float32)
    mini = jnp.full((_BB, _C), _K, jnp.int32)
    for i in range(_NC):
        wc = w_ref[0, i * _C:(i + 1) * _C, :]
        mm2c = jax.lax.dot_general(x2x, wc, (((1,), (1,)), ((), ())),
                                   preferred_element_type=jnp.float32)
        w2c = w2_ref[0, :, i * _C:(i + 1) * _C]
        dc = (x2 + w2c) - mm2c
        ioc = lane + i * _C
        lt = dc < minv
        minv = jnp.where(lt, dc, minv)
        mini = jnp.where(lt, jnp.broadcast_to(ioc, (_BB, _C)), mini)

    rowmin = jnp.min(minv, axis=1, keepdims=True)
    idx = jnp.min(jnp.where(minv == rowmin, mini, jnp.int32(_K)), axis=1)
    idx_ref[0, 0, :] = idx

    iota = jax.lax.broadcasted_iota(jnp.int32, (1, _K), 1)
    oh = (iota == idx[:, None]).astype(jnp.float32)
    oh_ref[0] = oh

    q = jax.lax.dot_general(oh, w, (((1,), (0,)), ((), ())),
                            preferred_element_type=jnp.float32)
    emb_ref[0] = q
    qst_ref[0] = x + (q - x)

    @pl.when(first)
    def _():
        loss_ref[...] = jnp.zeros((1, 1), jnp.float32)

    d = q - x
    loss_ref[...] += jnp.sum(d * d).reshape(1, 1)


def kernel(inputs, W):
    xt = jnp.transpose(inputs, (1, 0, 2))
    w2 = jnp.sum(W * W, axis=2)[:, None, :]

    grid = (_G, _NB)
    oh, emb, qst, loss_sum, idx = pl.pallas_call(
        _vq_kernel,
        grid=grid,
        in_specs=[
            pl.BlockSpec((1, _BB, _D), lambda g, b: (g, b, 0)),
            pl.BlockSpec((1, _K, _D), lambda g, b: (g, 0, 0)),
            pl.BlockSpec((1, 1, _K), lambda g, b: (g, 0, 0)),
        ],
        out_specs=[
            pl.BlockSpec((1, _BB, _K), lambda g, b: (g, b, 0)),
            pl.BlockSpec((1, _BB, _D), lambda g, b: (g, b, 0)),
            pl.BlockSpec((1, _BB, _D), lambda g, b: (g, b, 0)),
            pl.BlockSpec((1, 1), lambda g, b: (0, 0)),
            pl.BlockSpec((1, 1, _BB), lambda g, b: (g * _NB + b, 0, 0)),
        ],
        out_shape=[
            jax.ShapeDtypeStruct((_G, _B, _K), jnp.float32),
            jax.ShapeDtypeStruct((_G, _B, _D), jnp.float32),
            jax.ShapeDtypeStruct((_G, _B, _D), jnp.float32),
            jax.ShapeDtypeStruct((1, 1), jnp.float32),
            jax.ShapeDtypeStruct((_G * _NB, 1, _BB), jnp.int32),
        ],
        compiler_params=pltpu.CompilerParams(
            dimension_semantics=("arbitrary", "arbitrary")),
    )(xt, W, w2)

    avg_loss = (loss_sum[0, 0] * ((1.0 + _CC) / (_B * _D))) / _G
    flat = (idx.reshape(_G, _B)
            + jnp.arange(_G, dtype=jnp.int32)[:, None] * _K).reshape(-1)
    counts = jnp.zeros((_G * _K,), jnp.float32).at[flat].add(1.0)
    p = counts.reshape(_G, _K) * (1.0 / _B)
    perp = jnp.exp(-jnp.sum(p * jnp.log(p + 1e-10), axis=1))
    avg_perplexity = jnp.sum(perp) / _G
    quantized_all = jnp.transpose(qst, (1, 0, 2))
    return (avg_loss, quantized_all, avg_perplexity, emb, oh)

# --- scband reference (transcript-rebuilt; emitter-appended) ---
"""Pipeline reference for scband-vector-quantizer-19121194402367 (READ-ONLY COPY).

The authoritative reference and input builder live on the scoring server;
editing this copy changes nothing except your own understanding.
"""

import jax, jax.numpy as jnp
import numpy as np

NUM_GROUPS = 4
NUM_EMB = 8192
EMB_DIM = 32
CC = 0.25
B = 2048


def setup_inputs(seed: int = 0) -> dict:
    key = jax.random.key(seed)
    k1, k2 = jax.random.split(key)
    inputs = jax.random.normal(k1, (B, NUM_GROUPS, EMB_DIM), dtype=jnp.float32)
    # per-group embedding tables, uniform(-1/K, 1/K) like torch init
    W = jax.random.uniform(k2, (NUM_GROUPS, NUM_EMB, EMB_DIM), minval=-1.0 / NUM_EMB, maxval=1.0 / NUM_EMB, dtype=jnp.float32)
    return {"inputs": inputs, "W": W}


def reference(inputs, W):
    x = jnp.transpose(inputs, (1, 0, 2))  # [G, B, D]
    loss = jnp.array(0.0, jnp.float32)
    perplexity = jnp.array(0.0, jnp.float32)
    quantized_all = []
    enc_embeddings_all = []
    enc_ids_one_hot_all = []
    for g in range(NUM_GROUPS):
        inp = x[g]            # [B, D]
        Wg = W[g]             # [K, D]
        distances = (jnp.sum(inp ** 2, axis=1, keepdims=True)
                     + jnp.sum(Wg ** 2, axis=1)
                     - 2.0 * jnp.matmul(inp, Wg.T))  # [B, K]
        encoding_indices = jnp.argmin(distances, axis=1)  # [B]
        encodings = jax.nn.one_hot(encoding_indices, NUM_EMB, dtype=jnp.float32)  # [B, K]
        enc_ids_one_hot_all.append(encodings)
        quantized = jnp.matmul(encodings, Wg)  # [B, D]
        enc_embeddings_all.append(quantized)
        e_latent_loss = jnp.mean((jax.lax.stop_gradient(quantized) - inp) ** 2)
        q_latent_loss = jnp.mean((quantized - jax.lax.stop_gradient(inp)) ** 2)
        loss = loss + q_latent_loss + CC * e_latent_loss
        quantized_st = inp + jax.lax.stop_gradient(quantized - inp)
        avg_probs = jnp.mean(encodings, axis=0)
        perplexity = perplexity + jnp.exp(-jnp.sum(avg_probs * jnp.log(avg_probs + 1e-10)))
        quantized_all.append(quantized_st)
    avg_loss = loss / NUM_GROUPS
    avg_perplexity = perplexity / NUM_GROUPS
    quantized_all = jnp.transpose(jnp.stack(quantized_all), (1, 0, 2))  # [B, G, D]
    enc_embeddings_all = jnp.stack(enc_embeddings_all)   # [G, B, D]
    enc_ids_one_hot_all = jnp.stack(enc_ids_one_hot_all)  # [G, B, K]
    return (avg_loss, quantized_all, avg_perplexity, enc_embeddings_all, enc_ids_one_hot_all)

if __name__ == "__main__":
    import jax
    _d = setup_inputs()
    print(jax.jit(kernel)(*tuple(_d.values())))

</pallas_src>

<mosaic_0001>
module attributes {stable_mosaic.version = 14 : i64} {
  func.func @_vq_kernel(%arg0: i32, %arg1: i32, %arg2: memref<1x128x32xf32, #tpu.memory_space<vmem>>, %arg3: memref<1x8192x32xf32, #tpu.memory_space<vmem>>, %arg4: memref<1x1x8192xf32, #tpu.memory_space<vmem>>, %arg5: memref<1x128x8192xf32, #tpu.memory_space<vmem>>, %arg6: memref<1x128x32xf32, #tpu.memory_space<vmem>>, %arg7: memref<1x128x32xf32, #tpu.memory_space<vmem>>, %arg8: memref<1x1xf32, #tpu.memory_space<vmem>>, %arg9: memref<1x1x128xi32, #tpu.memory_space<vmem>>) attributes {dimension_semantics = [#tpu.dimension_semantics<arbitrary>, #tpu.dimension_semantics<arbitrary>], iteration_bounds = array<i64: 4, 16>, scalar_prefetch = 0 : i64, scratch_operands = 0 : i64, tpu.core_type = #tpu.core_type<tc>, window_params = [{transform_indices = @transform_0, window_bounds = array<i64: 1, 128, 32>}, {transform_indices = @transform_1, window_bounds = array<i64: 1, 8192, 32>}, {transform_indices = @transform_2, window_bounds = array<i64: 1, 1, 8192>}, {transform_indices = @transform_3, window_bounds = array<i64: 1, 128, 8192>}, {transform_indices = @transform_4, window_bounds = array<i64: 1, 128, 32>}, {transform_indices = @transform_5, window_bounds = array<i64: 1, 128, 32>}, {pipeline_mode = #tpu.pipeline_mode<synchronous>, transform_indices = @transform_6, window_bounds = array<i64: 1, 1>}, {transform_indices = @transform_7, window_bounds = array<i64: 1, 1, 128>}]} {
    %eq3A = arith.constant 0 : i32
    %eq3A_0 = arith.cmpi eq, %arg0, %eq3A : i32
    %eq3A_1 = arith.constant 0 : i32
    %eq3A_2 = arith.cmpi eq, %arg1, %eq3A_1 : i32
    %and3A = arith.andi %eq3A_0, %eq3A_2 : i1
    %get3A = arith.constant 0 : index
    %get3A_3 = arith.constant 0 : index
    %get3A_4 = arith.constant 0 : index
    %get3A_5 = vector.load %arg2[%get3A, %get3A_3, %get3A_4] : memref<1x128x32xf32, #tpu.memory_space<vmem>>, vector<1x128x32xf32>
    %get3A_6 = vector.shape_cast %get3A_5 : vector<1x128x32xf32> to vector<128x32xf32>
    %get3A_7 = arith.constant 0 : index
    %get3A_8 = arith.constant 0 : index
    %get3A_9 = arith.constant 0 : index
    %get3A_10 = vector.load %arg3[%get3A_7, %get3A_8, %get3A_9] : memref<1x8192x32xf32, #tpu.memory_space<vmem>>, vector<1x8192x32xf32>
    %get3A_11 = vector.shape_cast %get3A_10 : vector<1x8192x32xf32> to vector<8192x32xf32>
    %mul3A = arith.mulf %get3A_6, %get3A_6 : vector<128x32xf32>
    %broadcast_in_dim3A = arith.constant 1.000000e+00 : f32
    %broadcast_in_dim3A_12 = vector.broadcast %broadcast_in_dim3A : f32 to vector<32x1xf32>
    %dot_general3A = arith.constant dense<0.000000e+00> : vector<128x1xf32>
    %dot_general3A_13 = tpu.matmul %mul3A, %broadcast_in_dim3A_12, %dot_general3A {dimension_numbers = #tpu.dot_dimension_numbers<[1], [0], [0], [1], [0, 0, 1, 1], [], []>, transpose_lhs_hint = false} : vector<128x32xf32>, vector<32x1xf32>, vector<128x1xf32> -> vector<128x1xf32>
    %add3A = arith.addf %get3A_6, %get3A_6 : vector<128x32xf32>
    %iota3A = tpu.iota {dimensions = array<i32: 1>} : vector<1x2048xi32>
    %broadcast_in_dim3A_14 = arith.constant 0x7F800000 : f32
    %broadcast_in_dim3A_15 = vector.broadcast %broadcast_in_dim3A_14 : f32 to vector<128x2048xf32>
    %broadcast_in_dim3A_16 = arith.constant 8192 : i32
    %broadcast_in_dim3A_17 = vector.broadcast %broadcast_in_dim3A_16 : i32 to vector<128x2048xi32>
    %get3A_18 = arith.constant 0 : index
    %get3A_19 = arith.constant 0 : index
    %get3A_20 = arith.constant 0 : index
    %get3A_21 = vector.load %arg3[%get3A_18, %get3A_19, %get3A_20] : memref<1x8192x32xf32, #tpu.memory_space<vmem>>, vector<1x2048x32xf32>
    %get3A_22 = vector.shape_cast %get3A_21 : vector<1x2048x32xf32> to vector<2048x32xf32>
    %dot_general3A_23 = arith.constant dense<0.000000e+00> : vector<128x2048xf32>
    %dot_general3A_24 = tpu.matmul %add3A, %get3A_22, %dot_general3A_23 {dimension_numbers = #tpu.dot_dimension_numbers<[1], [1], [0], [0], [0, 0, 1, 0], [], []>, transpose_lhs_hint = false} : vector<128x32xf32>, vector<2048x32xf32>, vector<128x2048xf32> -> vector<128x2048xf32>
    %get3A_25 = arith.constant 0 : index
    %get3A_26 = arith.constant 0 : index
    %get3A_27 = arith.constant 0 : index
    %get3A_28 = vector.load %arg4[%get3A_25, %get3A_26, %get3A_27] : memref<1x1x8192xf32, #tpu.memory_space<vmem>>, vector<1x1x2048xf32>
    %get3A_29 = vector.shape_cast %get3A_28 : vector<1x1x2048xf32> to vector<1x2048xf32>
    %add3A_30 = vector.broadcast %dot_general3A_13 : vector<128x1xf32> to vector<128x2048xf32>
    %add3A_31 = vector.broadcast %get3A_29 : vector<1x2048xf32> to vector<128x2048xf32>
    %add3A_32 = arith.addf %add3A_30, %add3A_31 : vector<128x2048xf32>
    %sub3A = arith.subf %add3A_32, %dot_general3A_24 : vector<128x2048xf32>
    %add3A_33 = arith.constant 0 : i32
    %add3A_34 = vector.broadcast %add3A_33 : i32 to vector<1x2048xi32>
    %add3A_35 = arith.addi %iota3A, %add3A_34 : vector<1x2048xi32>
    %lt3A = arith.cmpf olt, %sub3A, %broadcast_in_dim3A_15 : vector<128x2048xf32>
    %select_n3A = arith.select %lt3A, %sub3A, %broadcast_in_dim3A_15 : vector<128x2048xi1>, vector<128x2048xf32>
    %broadcast_in_dim3A_36 = vector.shape_cast %add3A_35 : vector<1x2048xi32> to vector<1x2048xi32>
    %broadcast_in_dim3A_37 = vector.broadcast %broadcast_in_dim3A_36 : vector<1x2048xi32> to vector<128x2048xi32>
    %select_n3A_38 = arith.select %lt3A, %broadcast_in_dim3A_37, %broadcast_in_dim3A_17 : vector<128x2048xi1>, vector<128x2048xi32>
    %get3A_39 = arith.constant 0 : index
    %get3A_40 = arith.constant 2048 : index
    %get3A_41 = arith.constant 0 : index
    %get3A_42 = vector.load %arg3[%get3A_39, %get3A_40, %get3A_41] : memref<1x8192x32xf32, #tpu.memory_space<vmem>>, vector<1x2048x32xf32>
    %get3A_43 = vector.shape_cast %get3A_42 : vector<1x2048x32xf32> to vector<2048x32xf32>
    %dot_general3A_44 = arith.constant dense<0.000000e+00> : vector<128x2048xf32>
    %dot_general3A_45 = tpu.matmul %add3A, %get3A_43, %dot_general3A_44 {dimension_numbers = #tpu.dot_dimension_numbers<[1], [1], [0], [0], [0, 0, 1, 0], [], []>, transpose_lhs_hint = false} : vector<128x32xf32>, vector<2048x32xf32>, vector<128x2048xf32> -> vector<128x2048xf32>
    %get3A_46 = arith.constant 0 : index
    %get3A_47 = arith.constant 0 : index
    %get3A_48 = arith.constant 2048 : index
    %get3A_49 = vector.load %arg4[%get3A_46, %get3A_47, %get3A_48] : memref<1x1x8192xf32, #tpu.memory_space<vmem>>, vector<1x1x2048xf32>
    %get3A_50 = vector.shape_cast %get3A_49 : vector<1x1x2048xf32> to vector<1x2048xf32>
    %add3A_51 = vector.broadcast %dot_general3A_13 : vector<128x1xf32> to vector<128x2048xf32>
    %add3A_52 = vector.broadcast %get3A_50 : vector<1x2048xf32> to vector<128x2048xf32>
    %add3A_53 = arith.addf %add3A_51, %add3A_52 : vector<128x2048xf32>
    %sub3A_54 = arith.subf %add3A_53, %dot_general3A_45 : vector<128x2048xf32>
    %add3A_55 = arith.constant 2048 : i32
    %add3A_56 = vector.broadcast %add3A_55 : i32 to vector<1x2048xi32>
    %add3A_57 = arith.addi %iota3A, %add3A_56 : vector<1x2048xi32>
    %lt3A_58 = arith.cmpf olt, %sub3A_54, %select_n3A : vector<128x2048xf32>
    %select_n3A_59 = arith.select %lt3A_58, %sub3A_54, %select_n3A : vector<128x2048xi1>, vector<128x2048xf32>
    %broadcast_in_dim3A_60 = vector.shape_cast %add3A_57 : vector<1x2048xi32> to vector<1x2048xi32>
    %broadcast_in_dim3A_61 = vector.broadcast %broadcast_in_dim3A_60 : vector<1x2048xi32> to vector<128x2048xi32>
    %select_n3A_62 = arith.select %lt3A_58, %broadcast_in_dim3A_61, %select_n3A_38 : vector<128x2048xi1>, vector<128x2048xi32>
    %get3A_63 = arith.constant 0 : index
    %get3A_64 = arith.constant 4096 : index
    %get3A_65 = arith.constant 0 : index
    %get3A_66 = vector.load %arg3[%get3A_63, %get3A_64, %get3A_65] : memref<1x8192x32xf32, #tpu.memory_space<vmem>>, vector<1x2048x32xf32>
    %get3A_67 = vector.shape_cast %get3A_66 : vector<1x2048x32xf32> to vector<2048x32xf32>
    %dot_general3A_68 = arith.constant dense<0.000000e+00> : vector<128x2048xf32>
    %dot_general3A_69 = tpu.matmul %add3A, %get3A_67, %dot_general3A_68 {dimension_numbers = #tpu.dot_dimension_numbers<[1], [1], [0], [0], [0, 0, 1, 0], [], []>, transpose_lhs_hint = false} : vector<128x32xf32>, vector<2048x32xf32>, vector<128x2048xf32> -> vector<128x2048xf32>
    %get3A_70 = arith.constant 0 : index
    %get3A_71 = arith.constant 0 : index
    %get3A_72 = arith.constant 4096 : index
    %get3A_73 = vector.load %arg4[%get3A_70, %get3A_71, %get3A_72] : memref<1x1x8192xf32, #tpu.memory_space<vmem>>, vector<1x1x2048xf32>
    %get3A_74 = vector.shape_cast %get3A_73 : vector<1x1x2048xf32> to vector<1x2048xf32>
    %add3A_75 = vector.broadcast %dot_general3A_13 : vector<128x1xf32> to vector<128x2048xf32>
    %add3A_76 = vector.broadcast %get3A_74 : vector<1x2048xf32> to vector<128x2048xf32>
    %add3A_77 = arith.addf %add3A_75, %add3A_76 : vector<128x2048xf32>
    %sub3A_78 = arith.subf %add3A_77, %dot_general3A_69 : vector<128x2048xf32>
    %add3A_79 = arith.constant 4096 : i32
    %add3A_80 = vector.broadcast %add3A_79 : i32 to vector<1x2048xi32>
    %add3A_81 = arith.addi %iota3A, %add3A_80 : vector<1x2048xi32>
    %lt3A_82 = arith.cmpf olt, %sub3A_78, %select_n3A_59 : vector<128x2048xf32>
    %select_n3A_83 = arith.select %lt3A_82, %sub3A_78, %select_n3A_59 : vector<128x2048xi1>, vector<128x2048xf32>
    %broadcast_in_dim3A_84 = vector.shape_cast %add3A_81 : vector<1x2048xi32> to vector<1x2048xi32>
    %broadcast_in_dim3A_85 = vector.broadcast %broadcast_in_dim3A_84 : vector<1x2048xi32> to vector<128x2048xi32>
    %select_n3A_86 = arith.select %lt3A_82, %broadcast_in_dim3A_85, %select_n3A_62 : vector<128x2048xi1>, vector<128x2048xi32>
    %get3A_87 = arith.constant 0 : index
    %get3A_88 = arith.constant 6144 : index
    %get3A_89 = arith.constant 0 : index
    %get3A_90 = vector.load %arg3[%get3A_87, %get3A_88, %get3A_89] : memref<1x8192x32xf32, #tpu.memory_space<vmem>>, vector<1x2048x32xf32>
    %get3A_91 = vector.shape_cast %get3A_90 : vector<1x2048x32xf32> to vector<2048x32xf32>
    %dot_general3A_92 = arith.constant dense<0.000000e+00> : vector<128x2048xf32>
    %dot_general3A_93 = tpu.matmul %add3A, %get3A_91, %dot_general3A_92 {dimension_numbers = #tpu.dot_dimension_numbers<[1], [1], [0], [0], [0, 0, 1, 0], [], []>, transpose_lhs_hint = false} : vector<128x32xf32>, vector<2048x32xf32>, vector<128x2048xf32> -> vector<128x2048xf32>
    %get3A_94 = arith.constant 0 : index
    %get3A_95 = arith.constant 0 : index
    %get3A_96 = arith.constant 6144 : index
    %get3A_97 = vector.load %arg4[%get3A_94, %get3A_95, %get3A_96] : memref<1x1x8192xf32, #tpu.memory_space<vmem>>, vector<1x1x2048xf32>
    %get3A_98 = vector.shape_cast %get3A_97 : vector<1x1x2048xf32> to vector<1x2048xf32>
    %add3A_99 = vector.broadcast %dot_general3A_13 : vector<128x1xf32> to vector<128x2048xf32>
    %add3A_100 = vector.broadcast %get3A_98 : vector<1x2048xf32> to vector<128x2048xf32>
    %add3A_101 = arith.addf %add3A_99, %add3A_100 : vector<128x2048xf32>
    %sub3A_102 = arith.subf %add3A_101, %dot_general3A_93 : vector<128x2048xf32>
    %add3A_103 = arith.constant 6144 : i32
    %add3A_104 = vector.broadcast %add3A_103 : i32 to vector<1x2048xi32>
    %add3A_105 = arith.addi %iota3A, %add3A_104 : vector<1x2048xi32>
    %lt3A_106 = arith.cmpf olt, %sub3A_102, %select_n3A_83 : vector<128x2048xf32>
    %select_n3A_107 = arith.select %lt3A_106, %sub3A_102, %select_n3A_83 : vector<128x2048xi1>, vector<128x2048xf32>
    %broadcast_in_dim3A_108 = vector.shape_cast %add3A_105 : vector<1x2048xi32> to vector<1x2048xi32>
    %broadcast_in_dim3A_109 = vector.broadcast %broadcast_in_dim3A_108 : vector<1x2048xi32> to vector<128x2048xi32>
    %select_n3A_110 = arith.select %lt3A_106, %broadcast_in_dim3A_109, %select_n3A_86 : vector<128x2048xi1>, vector<128x2048xi32>
    %reduce_min3A = arith.constant dense<0x7F800000> : vector<128xf32>
    %reduce_min3A_111 = vector.multi_reduction <minimumf>, %select_n3A_107, %reduce_min3A [1] : vector<128x2048xf32> to vector<128xf32>
    %broadcast_in_dim3A_112 = vector.shape_cast %reduce_min3A_111 : vector<128xf32> to vector<128x1xf32>
    %eq3A_113 = vector.broadcast %broadcast_in_dim3A_112 : vector<128x1xf32> to vector<128x2048xf32>
    %eq3A_114 = arith.cmpf oeq, %select_n3A_107, %eq3A_113 : vector<128x2048xf32>
    %jit3A = arith.constant 8192 : i32
    %broadcast_in_dim3A_115 = vector.broadcast %jit3A : i32 to vector<128x2048xi32>
    %select_n3A_116 = arith.select %eq3A_114, %select_n3A_110, %broadcast_in_dim3A_115 : vector<128x2048xi1>, vector<128x2048xi32>
    %reduce_min3A_117 = arith.constant dense<2147483647> : vector<128xi32>
    %reduce_min3A_118 = vector.multi_reduction <minsi>, %select_n3A_116, %reduce_min3A_117 [1] : vector<128x2048xi32> to vector<128xi32>
    %swap3A = arith.constant 0 : index
    %swap3A_119 = arith.constant 0 : index
    %swap3A_120 = arith.constant 0 : index
    %swap3A_121 = vector.load %arg9[%swap3A, %swap3A_119, %swap3A_120] : memref<1x1x128xi32, #tpu.memory_space<vmem>>, vector<1x1x128xi32>
    %swap3A_122 = vector.shape_cast %swap3A_121 : vector<1x1x128xi32> to vector<128xi32>
    %swap3A_123 = vector.shape_cast %reduce_min3A_118 : vector<128xi32> to vector<1x1x128xi32>
    tpu.vector_store %arg9[%swap3A, %swap3A_119, %swap3A_120], %swap3A_123 {strides = array<i32>} : memref<1x1x128xi32, #tpu.memory_space<vmem>>, vector<1x1x128xi32>,
    %iota3A_124 = tpu.iota {dimensions = array<i32: 1>} : vector<1x8192xi32>
    %broadcast_in_dim3A_125 = vector.shape_cast %reduce_min3A_118 : vector<128xi32> to vector<128x1xi32>
    %eq3A_126 = vector.broadcast %iota3A_124 : vector<1x8192xi32> to vector<128x8192xi32>
    %eq3A_127 = vector.broadcast %broadcast_in_dim3A_125 : vector<128x1xi32> to vector<128x8192xi32>
    %eq3A_128 = arith.cmpi eq, %eq3A_126, %eq3A_127 : vector<128x8192xi32>
    %convert_element_type3A = arith.extui %eq3A_128 : vector<128x8192xi1> to vector<128x8192xi32>
    %convert_element_type3A_129 = arith.sitofp %convert_element_type3A : vector<128x8192xi32> to vector<128x8192xf32>
    %swap3A_130 = arith.constant 0 : index
    %swap3A_131 = arith.constant 0 : index
    %swap3A_132 = arith.constant 0 : index
    %swap3A_133 = vector.load %arg5[%swap3A_130, %swap3A_131, %swap3A_132] : memref<1x128x8192xf32, #tpu.memory_space<vmem>>, vector<1x128x8192xf32>
    %swap3A_134 = vector.shape_cast %swap3A_133 : vector<1x128x8192xf32> to vector<128x8192xf32>
    %swap3A_135 = vector.shape_cast %convert_element_type3A_129 : vector<128x8192xf32> to vector<1x128x8192xf32>
    tpu.vector_store %arg5[%swap3A_130, %swap3A_131, %swap3A_132], %swap3A_135 {strides = array<i32>} : memref<1x128x8192xf32, #tpu.memory_space<vmem>>, vector<1x128x8192xf32>,
    %dot_general3A_136 = arith.constant dense<0.000000e+00> : vector<128x32xf32>
    %dot_general3A_137 = tpu.matmul %convert_element_type3A_129, %get3A_11, %dot_general3A_136 {dimension_numbers = #tpu.dot_dimension_numbers<[1], [0], [0], [1], [0, 0, 1, 1], [], []>, transpose_lhs_hint = false} : vector<128x8192xf32>, vector<8192x32xf32>, vector<128x32xf32> -> vector<128x32xf32>
    %swap3A_138 = arith.constant 0 : index
    %swap3A_139 = arith.constant 0 : index
    %swap3A_140 = arith.constant 0 : index
    %swap3A_141 = vector.load %arg6[%swap3A_138, %swap3A_139, %swap3A_140] : memref<1x128x32xf32, #tpu.memory_space<vmem>>, vector<1x128x32xf32>
    %swap3A_142 = vector.shape_cast %swap3A_141 : vector<1x128x32xf32> to vector<128x32xf32>
    %swap3A_143 = vector.shape_cast %dot_general3A_137 : vector<128x32xf32> to vector<1x128x32xf32>
    tpu.vector_store %arg6[%swap3A_138, %swap3A_139, %swap3A_140], %swap3A_143 {strides = array<i32>} : memref<1x128x32xf32, #tpu.memory_space<vmem>>, vector<1x128x32xf32>,
    %sub3A_144 = arith.subf %dot_general3A_137, %get3A_6 : vector<128x32xf32>
    %add3A_145 = arith.addf %get3A_6, %sub3A_144 : vector<128x32xf32>
    %swap3A_146 = arith.constant 0 : index
    %swap3A_147 = arith.constant 0 : index
    %swap3A_148 = arith.constant 0 : index
    %swap3A_149 = vector.load %arg7[%swap3A_146, %swap3A_147, %swap3A_148] : memref<1x128x32xf32, #tpu.memory_space<vmem>>, vector<1x128x32xf32>
    %swap3A_150 = vector.shape_cast %swap3A_149 : vector<1x128x32xf32> to vector<128x32xf32>
    %swap3A_151 = vector.shape_cast %add3A_145 : vector<128x32xf32> to vector<1x128x32xf32>
    tpu.vector_store %arg7[%swap3A_146, %swap3A_147, %swap3A_148], %swap3A_151 {strides = array<i32>} : memref<1x128x32xf32, #tpu.memory_space<vmem>>, vector<1x128x32xf32>,
    %convert_element_type3A_152 = arith.extui %and3A : i1 to i32
    %cond3A = arith.constant 0 : i32
    %cond3A_153 = arith.cmpi ne, %convert_element_type3A_152, %cond3A : i32
    scf.if %cond3A_153 {
      %broadcast_in_dim3A_167 = arith.constant 0.000000e+00 : f32
      %broadcast_in_dim3A_168 = vector.broadcast %broadcast_in_dim3A_167 : f32 to vector<1x1xf32>
      %swap3A_169 = arith.constant 0 : index
      %swap3A_170 = arith.constant 0 : index
      %swap3A_171 = vector.load %arg8[%swap3A_169, %swap3A_170] : memref<1x1xf32, #tpu.memory_space<vmem>>, vector<1x1xf32>
      tpu.vector_store %arg8[%swap3A_169, %swap3A_170], %broadcast_in_dim3A_168 {strides = array<i32>} : memref<1x1xf32, #tpu.memory_space<vmem>>, vector<1x1xf32>,
    } else {
    }
    %sub3A_154 = arith.subf %dot_general3A_137, %get3A_6 : vector<128x32xf32>
    %get3A_155 = arith.constant 0 : index
    %get3A_156 = arith.constant 0 : index
    %get3A_157 = vector.load %arg8[%get3A_155, %get3A_156] : memref<1x1xf32, #tpu.memory_space<vmem>>, vector<1x1xf32>
    %mul3A_158 = arith.mulf %sub3A_154, %sub3A_154 : vector<128x32xf32>
    %reduce_sum3A = vector.shape_cast %mul3A_158 : vector<128x32xf32> to vector<1x128x32xf32>
    %reduce_sum3A_159 = arith.constant dense<0.000000e+00> : vector<1xf32>
    %reduce_sum3A_160 = vector.multi_reduction <add>, %reduce_sum3A, %reduce_sum3A_159 [1, 2] : vector<1x128x32xf32> to vector<1xf32>
    %reduce_sum3A_161 = vector.shape_cast %reduce_sum3A_160 : vector<1xf32> to vector<1x1x1xf32>
    %reduce_sum3A_162 = vector.extract %reduce_sum3A_161[0, 0, 0] : f32 from vector<1x1x1xf32>
    %reshape3A = vector.broadcast %reduce_sum3A_162 : f32 to vector<1x1xf32>
    %add3A_163 = arith.addf %get3A_157, %reshape3A : vector<1x1xf32>
    %swap3A_164 = arith.constant 0 : index
    %swap3A_165 = arith.constant 0 : index
    %swap3A_166 = vector.load %arg8[%swap3A_164, %swap3A_165] : memref<1x1xf32, #tpu.memory_space<vmem>>, vector<1x1xf32>
    tpu.vector_store %arg8[%swap3A_164, %swap3A_165], %add3A_163 {strides = array<i32>} : memref<1x1xf32, #tpu.memory_space<vmem>>, vector<1x1xf32>,
    return
  }
  func.func @transform_0(%arg0: i32, %arg1: i32) -> (i32, i32, i32) {
    %c0_i32 = arith.constant 0 : i32
    %c0_i32_0 = arith.constant 0 : i32
    return %arg0, %arg1, %c0_i32 : i32, i32, i32
  }
  func.func @transform_1(%arg0: i32, %arg1: i32) -> (i32, i32, i32) {
    %c0_i32 = arith.constant 0 : i32
    %c0_i32_0 = arith.constant 0 : i32
    %c0_i32_1 = arith.constant 0 : i32
    return %arg0, %c0_i32, %c0_i32_0 : i32, i32, i32
  }
  func.func @transform_2(%arg0: i32, %arg1: i32) -> (i32, i32, i32) {
    %c0_i32 = arith.constant 0 : i32
    %c0_i32_0 = arith.constant 0 : i32
    %c0_i32_1 = arith.constant 0 : i32
    return %arg0, %c0_i32, %c0_i32_0 : i32, i32, i32
  }
  func.func @transform_3(%arg0: i32, %arg1: i32) -> (i32, i32, i32) {
    %c0_i32 = arith.constant 0 : i32
    %c0_i32_0 = arith.constant 0 : i32
    return %arg0, %arg1, %c0_i32 : i32, i32, i32
  }
  func.func @transform_4(%arg0: i32, %arg1: i32) -> (i32, i32, i32) {
    %c0_i32 = arith.constant 0 : i32
    %c0_i32_0 = arith.constant 0 : i32
    return %arg0, %arg1, %c0_i32 : i32, i32, i32
  }
  func.func @transform_5(%arg0: i32, %arg1: i32) -> (i32, i32, i32) {
    %c0_i32 = arith.constant 0 : i32
    %c0_i32_0 = arith.constant 0 : i32
    return %arg0, %arg1, %c0_i32 : i32, i32, i32
  }
  func.func @transform_6(%arg0: i32, %arg1: i32) -> (i32, i32) {
    %c0_i32 = arith.constant 0 : i32
    %c0_i32_0 = arith.constant 0 : i32
    %c0_i32_1 = arith.constant 0 : i32
    return %c0_i32, %c0_i32_0 : i32, i32
  }
  func.func @transform_7(%arg0: i32, %arg1: i32) -> (i32, i32, i32) {
    %mul3A = arith.constant 16 : i32
    %mul3A_0 = arith.muli %arg0, %mul3A : i32
    %add3A = arith.addi %mul3A_0, %arg1 : i32
    %c0_i32 = arith.constant 0 : i32
    %c0_i32_1 = arith.constant 0 : i32
    %c0_i32_2 = arith.constant 0 : i32
    return %add3A, %c0_i32, %c0_i32_1 : i32, i32, i32
  }
}

</mosaic_0001>

<sc_bundles>
// kernel: scatter_offload_async_start
scs
__scs_entry_jumppad:
0x0: {  	(pc) =	sbr.rel $0x88, $3  }
0x1: {  	(tag) =	ssettag $0x0;
	lr =	simm.s32 $0x1  }
0x2: {  	[smem:$0x3F9F] =	sst lr;
	_ =	strace $0xD0000000  }
0x3: {  	_ = 	snop  }
0x4: {  	_ = 	snop  }
0x5: {  	_ = 	snop  }
0x6: {  	_ = 	snop  }
0x7: {  	_ = 	snop  }
__scs_overlays_trampoline_lowered:
0x8: {  	[smem:$0x3FAE] =	sst s0  }
0x9: {  	[smem:$0x3FAF] =	sst s1  }
0xa: {  	[smem:$0x3FB0] =	sst s2  }
0xb: {  	[smem:$0x3FB1] =	sst s3  }
0xc: {  	[smem:$0x3FB2] =	sst s4  }
0xd: {  	[smem:$0x3FB3] =	sst s5  }
0xe: {  	[smem:$0x3FB4] =	sst s6  }
0xf: {  	[smem:$0x3FB5] =	sst s7  }
0x10: {  	[smem:$0x3FB6] =	sst s8  }
0x11: {  	[smem:$0x3FB7] =	sst s9;
	s0 =	simm.s32 @!p0 $0x0  }
0x12: {  	s1 =	sld [smem:$0x3F9D];
	s0 =	simm.s32 @p0 $0x1  }
0x13: {  	[smem:$0x3FB8] =	sst s0;
	s0 =	simm.s32 @!p1 $0x0  }
0x14: {  	s2 =	sld [smem:$0x3F9C];
	s0 =	simm.s32 @p1 $0x1  }
0x15: {  	[smem:$0x3FB9] =	sst s0;
	s0 =	simm.s32 @!p2 $0x0  }
0x16: {  	s3 =	sld [smem:$0x3FDB];
	s0 =	simm.s32 @p2 $0x1  }
0x17: {  	s4 =	simm.s32 $0x1BF5;
	[smem:$0x3FBB] =	sst s0  }
0x18: {  	s0 =	sld [smem:$0x3F9E];
	_ =	swait.ge [sflag:s4], $0x0  }
0x19: {  	s7 =	sld [smem:$0x3F9F]  }
0x1a: {  	s8 =	sadd.s32 $0xFFFFE003, lr  }
0x1b: {  	s9 =	sadd.s32 $0xFFFFFEF7, lr;
	s5 =	simm.s32 $0xFFFFFFFF;
	p2 =	slt.u32 s8, $0xFFFFF086  }
0x1c: {  	p1 =	slt.u32 s9, $0xF7A;
	s5 =	simm.s32 @!p2 $0x0  }
0x1d: {  	s5 =	simm.s32 @p1 $0x1;
	p0 =	seq.s32 s7, s2  }
0x1e: {  	s7 =	smul.u32 @!p0 $0xF7A, s2;
	p2 =	seq.s32 @!p0 s5, $0x0  }
0x1f: {  	s9 =	smul.u32 $0xF7A, s1;
	s8 =	simm.s32 @!p0 $0x1BF5;
	p2 =	por !p2, p0  }
0x20: {  	[sflag:s8] =	ssyncset.s32 @!p0 $0xFFFFF086;
	s6 =	sadd.s32 @!p0 s3, s7;
	s7 =	simm.s32 @!p0 $0x108  }
0x21: {  	s3 =	sadd.s32 s3, s9;
	s6 =	sadd.s32 @!p0 $0x88, s6;
	s7 =	simm.s32 @p2 $0x1082  }
0x22: {  	[simem:s7], [sflag:s8] =	dma.local @!p0 [hbm:s6], $0xF7A  }
0x23: {  	s9 =	sor.u32 $0xD0000000, s2;
	s6 =	simm.s32 $0x108;
	_ =	swait.ge @!p0 [sflag:s8], $0x0  }
0x24: {  	s3 =	sadd.s32 $0x88, s3;
	s6 =	simm.s32 @!p1 $0x1082;
	[sflag:s4] =	ssyncset.s32 $0xFFFFF086  }
0x25: {  	[simem:s6], [sflag:s4] =	dma.local [hbm:s3], $0xF7A  }
0x26: {  	[smem:$0x3F9F] =	sst s1;
	(tag) =	ssettag s2;
	_ =	strace s9  }
0x27: {  	s1 =	sld [smem:$0x3FAF]  }
0x28: {  	s2 =	sld [smem:$0x3FB0]  }
0x29: {  	s4 =	sld [smem:$0x3FB2]  }
0x2a: {  	p0 =	seq.s32 s5, $0x0;
	s5 =	sld [smem:$0x3FB3]  }
0x2b: {  	s6 =	sld [smem:$0x3FB4]  }
0x2c: {  	s7 =	sld [smem:$0x3FB5]  }
0x2d: {  	s3 =	simm.s32 $0x108;
	s8 =	sld [smem:$0x3FB6]  }
0x2e: {  	s3 =	simm.s32 @!p0 $0x1082;
	s9 =	sld [smem:$0x3FB7]  }
0x2f: {  	lr =	sadd.s32 s0, s3;
	s0 =	sld [smem:$0x3FAE]  }
0x30: {  	s3 =	sld [smem:$0x3FB1]  }
0x31: {  	[smem:$0x3FBA] =	sst s10  }
0x32: {  	s10 =	sld [smem:$0x3FB8];
	_ =	sdelay $0x3  }
0x33: {  	p0 =	seq.s32 s10, $0x1;
	s10 =	sld [smem:$0x3FBA];
	_ =	sdelay $0x3  }
0x34: {  	[smem:$0x3FBA] =	sst s10  }
0x35: {  	s10 =	sld [smem:$0x3FB9];
	_ =	sdelay $0x3  }
0x36: {  	p1 =	seq.s32 s10, $0x1;
	s10 =	sld [smem:$0x3FBA];
	_ =	sdelay $0x3  }
0x37: {  	[smem:$0x3FBA] =	sst s10  }
0x38: {  	s10 =	sld [smem:$0x3FBB]  }
0x39: {  	_ = 	snop;
	(pc) =	sbr.ind lr, $3  }
0x3a: {  	_ = 	snop  }
0x3b: {  	_ = 	snop  }
0x3c: {  	p2 =	seq.s32 s10, $0x1;
	s10 =	sld [smem:$0x3FBA]  }
0x3d: {  	_ =	shalt  }
0x3e: {  	_ =	shalt  }
0x3f: {  	_ =	shalt  }
0x40: {  	_ =	shalt  }
0x41: {  	_ =	shalt  }
0x42: {  	_ =	shalt  }
0x43: {  	_ =	shalt  }
0x44: {  	_ =	shalt  }
0x45: {  	_ =	shalt  }
0x46: {  	_ =	shalt  }
0x47: {  	_ =	shalt  }
0x48: {  	_ =	shalt  }
0x49: {  	_ =	shalt  }
0x4a: {  	_ =	shalt  }
0x4b: {  	_ =	shalt  }
0x4c: {  	_ =	shalt  }
0x4d: {  	_ =	shalt  }
0x4e: {  	_ =	shalt  }
0x4f: {  	_ =	shalt  }
0x50: {  	_ =	shalt  }
0x51: {  	_ =	shalt  }
0x52: {  	_ =	shalt  }
0x53: {  	_ =	shalt  }
0x54: {  	_ =	shalt  }
0x55: {  	_ =	shalt  }
0x56: {  	_ =	shalt  }
0x57: {  	_ =	shalt  }
0x58: {  	_ =	shalt  }
0x59: {  	_ =	shalt  }
0x5a: {  	_ =	shalt  }
0x5b: {  	_ =	shalt  }
0x5c: {  	_ =	shalt  }
0x5d: {  	_ =	shalt  }
0x5e: {  	_ =	shalt  }
0x5f: {  	_ =	shalt  }
0x60: {  	_ =	shalt  }
0x61: {  	_ =	shalt  }
0x62: {  	_ =	shalt  }
0x63: {  	_ =	shalt  }
0x64: {  	_ =	shalt  }
0x65: {  	_ =	shalt  }
0x66: {  	_ =	shalt  }
0x67: {  	_ =	shalt  }
0x68: {  	_ =	shalt  }
0x69: {  	_ =	shalt  }
0x6a: {  	_ =	shalt  }
0x6b: {  	_ =	shalt  }
0x6c: {  	_ =	shalt  }
0x6d: {  	_ =	shalt  }
0x6e: {  	_ =	shalt  }
0x6f: {  	_ =	shalt  }
0x70: {  	_ =	shalt  }
0x71: {  	_ =	shalt  }
0x72: {  	_ =	shalt  }
0x73: {  	_ =	shalt  }
0x74: {  	_ =	shalt  }
0x75: {  	_ =	shalt  }
0x76: {  	_ =	shalt  }
0x77: {  	_ =	shalt  }
0x78: {  	_ =	shalt  }
0x79: {  	_ =	shalt  }
0x7a: {  	_ =	shalt  }
0x7b: {  	_ =	shalt  }
0x7c: {  	_ =	shalt  }
0x7d: {  	_ =	shalt  }
0x7e: {  	_ =	shalt  }
0x7f: {  	_ =	shalt  }
0x80: {  	_ =	shalt  }
0x81: {  	_ =	shalt  }
0x82: {  	_ =	shalt  }
0x83: {  	_ =	shalt  }
0x84: {  	_ =	shalt  }
0x85: {  	_ =	shalt  }
0x86: {  	_ =	shalt  }
0x87: {  	_ =	shalt  }
.Lfunc_end0:
.L_simem_size_0:
called_computation_lowered:
.L_overlay_start_0:
0x88: {  	s0 =	sld [smem:$0x3FD9]  }
0x89: {  	s1 =	sld [smem:$0x3FFE];
	_ =	sdelay $0x3  }
0x8a: {  	s0 =	sadd.s32 s1, s0  }
0x8b: {  	[smem:$0x3FC6] =	sst s0  }
0x8c: {  	_ = 	snop  }
0x8d: {  	(tm) =	ssettm $0x1  }
0x8e: {  	s15 =	sld [smem:$0x3FFB];
	_ =	sdelay $0x3  }
0x8f: {  	_ =	strace s15  }
0x90: {  	s0 =	sld [smem:$0x3FFC];
	_ =	sdelay $0x3  }
0x91: {  	_ =	strace s0  }
0x92: {  	s0 =	sld [smem:$0x3FFD];
	_ =	sdelay $0x3  }
0x93: {  	_ =	strace s0  }
0x94: {  	_ =	strace $0x8FFFFFFF  }
0x95: {  	s16 =	sld [smem:$0x3FDB];
	_ =	sdelay $0x1  }
0x96: {  	s17 =	simm.s32 $_scs_section_size  }
0x97: {  	s2 =	simm.s32 $_size__tile_overlayer_lowered;
	s3 =	simm.s32 $_tile_overlayer_lowered  }
0x98: {  	s20 =	simm.s32 $0x1BFF;
	s19 =	sshll.u32 s3, $0x1;
	s0 =	sadd.s32 s17, s16  }
0x99: {  	s4 =	simm.s32 $0x0;
	s18 =	sshll.u32 s2, $0x1;
	s2 =	sadd.s32 s19, s0  }
0x9a: {  	[timem:s4], [sflag:s20] =	dma.local [hbm:s2], s18  }
0x9b: {  	_ =	swait.ge [sflag:s20], s18  }
0x9c: {  	s1 =	ssub.s32 $0x0, s18;
	[sflag:s20] =	ssyncset.done $0x0  }
0x9d: {  	[sflag:s20] =	ssyncadd.s32 s1;
	_ =	sdelay $0x1  }
0x9e: {  	s21 =	simm.s32 $0x1B8B  }
0x9f: {  	_ =	swait.ge [sflag:s21], $0x1  }
0xa0: {  	[sflag:s21] =	ssyncset.done $0x0  }
0xa1: {  	s23 =	simm.s32 $0x1B8E;
	s22 =	sld [smem:$0x3FFE];
	[sflag:s21] =	ssyncadd.s32 $0xFFFFFFFF  }
0xa2: {  	s24 =	simm.s32 $execute0_lowered;
	[smem:$0x3FD2] =	sst s23  }
0xa3: {  	s2 =	sshll.u32 s24, $0x1;
	_ =	strace $0x80000046;
	[dreg:$0x1] =	wrdreg $0xFFFFFFFF  }
0xa4: {  	s25 =	simm.s32 $_size_execute0_lowered;
	s0 =	sadd.s32 s0, s2;
	[dreg:$0x0] =	wrdreg $0x0  }
0xa5: {  	s2 =	sshll.u32 s25, $0x1;
	[dreg:$0x2] =	wrdreg s0  }
0xa6: {  	[dreg:$0x3] =	wrdreg s2  }
0xa7: {  	[dreg:$0x4] =	wrdreg $0xC0  }
0xa8: {  	_ =	task [dreg:s4], $0x5FFFF  }
0xa9: {  	[dreg:$0x1] =	wrdreg $0xFFFFFFFF  }
0xaa: {  	[dreg:$0x0] =	wrdreg $0x60  }
0xab: {  	[dreg:$0x2] =	wrdreg s22  }
0xac: {  	[dreg:$0x3] =	wrdreg $0x9  }
0xad: {  	_ =	task.clear_ibuf [dreg:s4], $0x4FFFF;
	_ =	strace $0x90000046  }
0xae: {  	s26 =	simm.s32 $0x9;
	_ =	strace $0x80000048  }
0xaf: {  	_ =	swait.ge [sflag:s26], $0x1  }
0xb0: {  	[sflag:s26] =	ssyncadd.s32 $0xFFFFFFFF  }
0xb1: {  	_ =	strace $0x90000048  }
0xb2: {  	_ =	sfence  }
0xb3: {  	s28 =	sld [smem:$0x0];
	_ =	sdelay $0x1  }
0xb4: {  	s29 =	srdreg.scid  }
0xb5: {  	s30 =	sshll.u32 s29, $0xD;
	s31 =	sshrl.u32 s29, $0x2  }
0xb6: {  	s1 =	sand.u32 $0x1, s29;
	s2 =	sand.u32 $0x4000, s30;
	s0 =	sadd.s32 s31, s28  }
0xb7: {  	s1 =	sor.u32 s2, s1;
	s0 =	sshll.u32 s0, $0x11  }
0xb8: {  	s0 =	sor.u32 s0, s1  }
0xb9: {  	s0 =	sadd.s32 $0x8F2B, s0  }
0xba: {  	[sflag:s0] =	ssyncadd.remote.s32 $0x1  }
0xbb: {  	_ =	sfence.sel $0xFFFF  }
0xbc: {  	[dreg:$0x0] =	wrdreg $0xFFFFFFFF;
	(pc) =	sbr.abs _section_cstart, $3  }
0xbd: {  	[dreg:$0x1] =	wrdreg $0xFFFFFFFF  }
0xbe: {  	_ =	task.clear_ibuf [dreg:s4], $0x2FFFF;
	_ =	strace $0x9FFFFFFF  }
0xbf: {  	(tm) =	ssettm $0x7FFFFFFF  }
tec
execute0_lowered:
.L_overlay_start_1:
0x0: {  	(tag) =	ssettag $0x1  }
0x1: {  	s3 =	rddreg [dreg:$0x0];
	_ =	strace $0x80000047;
	s4 =	simm.s32 $0x1  }
0x2: {  	v1 =	vimm.s32 $0xFFFFFFFF;
	[sflag:s4] =	ssyncpa.u1 $0x0  }
0x3: {  	[tilespmem:$0x10] =	vst v1  }
0x4: {  	v0 =	vimm.f32 $0.0e+00;
	[tilespmem:$0x20] =	vst v1  }
0x5: {  	[tilespmem:$0x30] =	vst v0  }
0x6: {  	s0 =	simm.s32 $0x2;
	s6 =	simm.s32 $0x7;
	[tilespmem:$0x40] =	vst v0  }
0x7: {  	s2 =	stileid.u32;
	s7 =	simm.s32 $0x8;
	s31 =	simm.s32 $0x9;
	[tilespmem:$0x50] =	vst v0  }
0x8: {  	s14 =	simm.s32 $0x0;
	s15 =	simm.s32 $0x100;
	s18 =	simm.s32 $0x10;
	[tilespmem:$0x60] =	vst v1  }
0x9: {  	s19 =	simm.s32 $0x1300;
	s20 =	simm.s32 $0xF;
	s21 =	simm.s32 $0x50;
	[tilespmem:$0x70] =	vst v1  }
0xa: {  	s22 =	simm.s32 $0x8FF;
	s23 =	simm.s32 $0x20;
	s24 =	simm.s32 $0x30;
	[tilespmem:$0x80] =	vst v1  }
0xb: {  	s25 =	simm.s32 $0x10FF;
	s26 =	simm.s32 $0x80;
	s30 =	simm.s32 $0x0;
	v1 =	vimm.s32 $0x0;
	[tilespmem:$0xB0] =	vst v0  }
.Ltmp0:
0xc: {  	s29 =	simm.s32 $0x0;
	s1 =	sadd.s32 $0x800, s3;
	[tilespmem:$0x90] =	vst v1;
	(pc) =	sbr.rel .LBB2_1-.Ltmp0, $4  }
0xd: {  	s5 =	sadd.s32 $0x400, s3;
	s8 =	sshll.u32 s2, $0x9;
	[tilespmem:$0xA0] =	vst v1;
	[sflag:s0] =	ssyncpa.u1 $0x0  }
0xe: {  	s10 =	sshll.u32 s2, $0x1;
	s12 =	sshllo.u32 s2, $0x1;
	[sflag:s6] =	ssyncpa.u1 $0x0  }
0xf: {  	vm0 =	vmmov $0xffff;
	v2 =	vlaneseq.u32;
	s9 =	sadd.s32 $0x200, s8;
	s11 =	sor.u32 $0x81, s10;
	[sflag:s7] =	ssyncpa.u1 $0x0  }
0x10: {  	vm1 =	vmxor vm1, vm1;
	vm2 =	vmmov $0x1;
	vm3 =	vcmask $0x3F3C;
	s13 =	sor.u32 $0x80, s10;
	s28 =	smov.u32 s8;
	[sflag:s31] =	ssyncpa.u1 $0x0  }
.LBB2_3:
0x11: {  	s0 =	sshrl.u32 s28, $0x3  }
0x12: {  	s2 =	sand.u32 $0x7, s28;
	s0 =	sadd.s32 s3, s0  }
0x13: {  	[tilespmem:s15], [sflag:$0x7] =	stream.linear.gather [hbm4b:s0+s2], $0x200, $0x38;
	[tilespmem:$0x1320] =	vst v63  }
.LBB2_4:
0x14: {  	s0 =	sadd.s32 $0x200, s28  }
0x15: {  	s2 =	smov.u32 s8;
	s29 =	sadd.s32 $0x1, s29;
	p0 =	slt.s32 s0, s9  }
0x16: {  	s2 =	smov.u32 @p0 s0;
	p0 =	sne.s32 s29, $0x4  }
.Ltmp1:
0x17: {  	_ = 	snop;
	(pc) =	sbr.rel @!p0 .LBB2_13-.Ltmp1, $2  }
0x18: {  	_ =	sdelay $0x2  }
0x19: {  	s30 =	smov.u32 s28;
	s28 =	smov.u32 s2  }
.LBB2_1:
0x1a: {  	p0 =	sgt.s32 s29, $0x1  }
.Ltmp2:
0x1b: {  	_ = 	snop;
	(pc) =	sbr.rel @p0 .LBB2_11-.Ltmp2, $1  }
0x1c: {  	_ =	sdelay $0x3  }
0x1d: {  	p0 =	seq.s32 s29, $0x0  }
.Ltmp3:
0x1e: {  	_ = 	snop;
	(pc) =	sbr.rel @p0 .LBB2_3-.Ltmp3, $1  }
0x1f: {  	_ =	sdelay $0x3  }
0x20: {  	_ =	swait.ge [sflag:s6], $0x200  }
0x21: {  	[sflag:s6] =	ssyncset.done $0x0  }
0x22: {  	[sflag:s6] =	ssyncadd.s32 $0xFFFFFE00;
	(ifvalue) =	ssetifvalue $0xFFFFFFFF;
	v3 =	vld.msk [tilespmem:s15+$0x0 ss:$0x1], $0xffff;
	_ =	sdelay $0x4  }
0x23: {  	v4 =	vperm.xlane v3, v1  }
0x24: {  	vm4 =	vlt.u32 v3, $0x8000  }
0x25: {  	v3 =	vnsel vm4, $0xFFFFFFFE, v3;
	vm4 =	vlt.u32 v4, $0x8000  }
0x26: {  	[tilespmem:$0x70] =	vst v3;
	v3 =	vnsel vm4, $0xFFFFFFFE, v4  }
0x27: {  	s17 =	simm.s32 $0x2F0;
	[tilespmem:$0x80] =	vst v3  }
0x28: {  	v3 =	vld.msk [tilespmem:s17+$0x0 ss:$0x1], $0xffff;
	_ =	sdelay $0x4  }
0x29: {  	(xrf1) =	vunique.msk.u32 $0xffff, v3;
	_ =	sdelay $0xd  }
0x2a: {  	v4 =	vimm.s32 $0xFFFFFFFF;
	v5, _, _ =	vpop (xrf1)  }
0x2b: {  	vm5 =	vne.s32 v3, v4;
	vm4 =	veq.s32 v5, v2  }
0x2c: {  	vm6 =	vlt.u32 v3, $0x8000;
	vm4 =	vmand vm5, vm4  }
0x2d: {  	vm4 =	vmand vm6, vm4  }
0x2e: {  	v4 =	vnsel vm4, $0xFFFFFFFF, v3;
	_ =	sdelay $0x3  }
0x2f: {  	s0 =	simm.s32 $0x8F0;
	(ifvalue) =	ssetifvalue $0xFFFFFFFF  }
0x30: {  	v3 =	vperm.xlane v3, v1;
	[tilespmem:s0], [sflag:$0x8] =	stream.indirect_vreg.gather [hbm4b:s1+s14], $0x1, v4, vm0, $0x4038;
	v4 =	vnsel vm6, $0xFFFFFFFE, v4;
	[tilespmem:$0x1320] =	vst v63  }
0x31: {  	s2 =	simm.s32 $0x0;
	s16 =	simm.s32 $0x2E0;
	[tilespmem:s17+$0x0] =	vst v4  }
.LBB2_6:
0x32: {  	v4 =	vld.msk [tilespmem:s16+$0x0 ss:$0x1], $0xffff;
	s2 =	sadd.s32 $0x10, s2;
	v5 =	vmov v3;
	s17 =	smov.u32 s16  }
0x33: {  	p0 =	slt.u32 s2, $0x1F0;
	_ =	sdelay $0x4  }
0x34: {  	v3 =	vperm.xlane v4, v1;
	(xrf1) =	vunique.msk.u32 $0xffff, v4;
	_ =	sdelay $0xd  }
0x35: {  	v6, _, _ =	vpop (xrf1)  }
0x36: {  	vm5 =	vne.s32 v4, v5;
	vm4 =	veq.s32 v6, v2  }
0x37: {  	vm6 =	vlt.u32 v4, $0x8000;
	vm4 =	vmand vm5, vm4  }
0x38: {  	vm4 =	vmand vm6, vm4  }
0x39: {  	v4 =	vnsel vm4, $0xFFFFFFFF, v4  }
.Ltmp4:
0x3a: {  	v5 =	vnsel vm6, $0xFFFFFFFE, v4;
	(pc) =	sbr.rel @p0 .LBB2_6-.Ltmp4, $3  }
0x3b: {  	_ =	sdelay $0x1  }
0x3c: {  	s16 =	sadd.s32 $0xFFFFFFF0, s16;
	s0 =	sadd.s32 $0xFFFFFFF0, s0;
	(ifvalue) =	ssetifvalue $0xFFFFFFFF  }
0x3d: {  	[tilespmem:s0], [sflag:$0x8] =	stream.indirect_vreg.gather [hbm4b:s1+s14], $0x1, v4, vm0, $0x4038;
	[tilespmem:s17+$0x0] =	vst v5  }
.Ltmp5:
0x3e: {  	(pc) =	sbr.rel .LBB2_4-.Ltmp5, $4  }
0x3f: {  	_ = 	snop  }
0x40: {  	s0 =	sshrl.u32 s30, $0x3  }
0x41: {  	s2 =	simm.s32 $0xB00;
	s0 =	sadd.s32 s5, s0  }
0x42: {  	[tilespmem:s2], [sflag:$0x8] =	stream.linear.gather [hbm:s0], $0x200, $0x38;
	[tilespmem:$0x1320] =	vst v63  }
.LBB2_11:
0x43: {  	p0 =	seq.s32 s29, $0x2  }
.Ltmp6:
0x44: {  	_ = 	snop;
	(pc) =	sbr.rel @!p0 .LBB2_12-.Ltmp6, $1  }
0x45: {  	_ =	sdelay $0x3  }
0x46: {  	_ =	swait.ge [sflag:s7], $0x400  }
0x47: {  	[sflag:s7] =	ssyncset.done $0x0  }
0x48: {  	s0 =	simm.s32 $0x2FF;
	[sflag:s7] =	ssyncadd.s32 $0xFFFFFC00  }
0x49: {  	[spmem:s11] =	stream.linear.scatter [tilespmem:s0], [sflag:$0x1], $0x1, $0x38;
	[tilespmem:$0x1320] =	vst v63  }
0x4a: {  	_ =	swait.ge [sflag:s4], $0x1  }
0x4b: {  	[sflag:s4] =	ssyncset.done $0x0  }
0x4c: {  	[sflag:s4] =	ssyncadd.s32 $0xFFFFFFFF  }
0x4d: {  	v4 =	vld [tilespmem:$0x10]  }
0x4e: {  	v5 =	vld [tilespmem:$0x70]  }
0x4f: {  	v3 =	vld [tilespmem:$0x80];
	_ =	sdelay $0x2  }
0x50: {  	(v2sf) =	vpush v4, $0x0  }
0x51: {  	(v2sf) =	vpush v5, $0x0  }
0x52: {  	(v2sf) =	vpush v3, $0x0;
	_ =	sdelay $0xc  }
0x53: {  	s16 =	spop (v2sf)  }
0x54: {  	s2 =	spop (v2sf)  }
0x55: {  	s30 =	spop (v2sf)  }
0x56: {  	p0 =	seq.s32 s16, s2;
	p1 =	seq.s32 s30, s16  }
0x57: {  	p1 =	por p0, p1  }
0x58: {  	v4 =	vpsel p1, $0xFFFFFFFF, v4  }
0x59: {  	[tilespmem:s18+$0x0] =	vst.msk $0x1, v4  }
0x5a: {  	v4 =	vld [tilespmem:$0x30]  }
0x5b: {  	v5 =	vld [tilespmem:$0xB00]  }
0x5c: {  	v6 =	vld [tilespmem:$0x40];
	_ =	sdelay $0x3  }
0x5d: {  	vm4 =	vmmov vm1;
	v5 =	vadd.f32 v5, v4  }
0x5e: {  	vm5 =	vmmov vm2;
	s31 =	simm.s32 $0xB00;
	vm4 =	vmmov @p0 vm2;
	v4 =	vadd.f32 v6, v4  }
0x5f: {  	vm5 =	vmmov @p1 vm1;
	[tilespmem:s31+$0x0] =	vst.msk vm4, v5  }
0x60: {  	[tilespmem:s19+$0x0] =	vst.msk vm5, v4  }
0x61: {  	v4 =	vld [tilespmem:$0x8F0];
	_ =	sdelay $0x3  }
0x62: {  	v5 =	vimm.f32 $0.0e+00  }
0x63: {  	v4 =	vshift.insert v4, v5, s20;
	_ =	sdelay $0x1  }
0x64: {  	[tilespmem:s21+$0x0] =	vst.msk $0x1, v4  }
0x65: {  	[tilespmem:s22+$0x0] =	vst.msk $0x1, v5  }
0x66: {  	v4 =	vld [tilespmem:$0x2F0];
	_ =	sdelay $0x4  }
0x67: {  	v4 =	vshift.insert v4, v1, s20;
	_ =	sdelay $0x1  }
0x68: {  	[tilespmem:s23+$0x0] =	vst.msk $0x1, v4  }
0x69: {  	s17 =	simm.s32 $0x100;
	v6 =	vld [tilespmem:s31+$0x0]  }
0x6a: {  	v7 =	vld [tilespmem:s17+$0x0];
	_ =	sdelay $0x3  }
0x6b: {  	v5 =	vadd.f32 v6, v5  }
0x6c: {  	vm4 =	vne.s32 v7, $0xFFFFFFFF  }
0x6d: {  	(xrf2) =	vadd.seg.scan.f32 vm4, v5;
	_ =	sdelay $0x3  }
0x6e: {  	s0 =	simm.s32 $0x700;
	v5 =	vperm.xlane v4, v1  }
0x6f: {  	v6 =	vld [tilespmem:s0+$0x0]  }
0x70: {  	vm5 =	veq.s32 v7, v3;
	vm6 =	veq.s32 v7, v5  }
0x71: {  	vm7 =	vgt.u32 v7, $0xFFFFFFFD;
	vm6 =	vmor vm6, vm5  }
0x72: {  	vm6 =	vmor vm6, vm7  }
0x73: {  	v9 =	vld [tilespmem:$0xA0];
	v7 =	vsel vm6, $0xFFFFFFFF, v7  }
0x74: {  	v10 =	vld [tilespmem:$0x90];
	v6 =	vsel vm5, $0x0, v6;
	v8, _, _ =	vpop (xrf2)  }
0x75: {  	v6 =	vadd.f32 v8, v6  }
0x76: {  	s2 =	simm.s32 $0xF00  }
0x77: {  	vm4 =	vmand vm4, vm3;
	[tilespmem:s2+$0x0] =	vst v6;
	(ifvalue) =	ssetifvalue $0xFFFFFFFF  }
0x78: {  	vm6 =	veq.s32 v9, $0x1;
	[hbm4b:s1+s14] =	stream.indirect_vreg.scatter [tilespmem:s2], [sflag:$0x2], $0x1, v7, vm0, $0x4038;
	v7 =	vsel vm4, $0x0, v8;
	[tilespmem:$0x1320] =	vst v63  }
0x79: {  	s16 =	simm.s32 $0x0;
	s17 =	simm.s32 $0x110;
	vm4 =	vmor vm6, vm5;
	v6 =	vsel vm5, v8, v10;
	v7 =	vshift.insert v7, v0, s20  }
.LBB2_9:
0x7a: {  	v8 =	vld [tilespmem:s17+$0x0];
	s31 =	sadd.s32 $0x10, s31  }
0x7b: {  	s0 =	sadd.s32 $0x10, s0;
	v9 =	vld [tilespmem:s31+$0x0]  }
0x7c: {  	s16 =	sadd.s32 $0x10, s16;
	v10 =	vld [tilespmem:s0+$0x0]  }
0x7d: {  	p0 =	slt.u32 s16, $0x1F0;
	_ =	sdelay $0x2  }
0x7e: {  	v7 =	vadd.f32 v9, v7  }
0x7f: {  	vm5 =	vne.s32 v8, $0xFFFFFFFF  }
0x80: {  	vm6 =	vmand vm5, vm3;
	(xrf2) =	vadd.seg.scan.f32 vm5, v7;
	_ =	sdelay $0x5  }
0x81: {  	vm7 =	veq.s32 v8, v5;
	vm5 =	veq.s32 v8, v3  }
0x82: {  	vm8 =	vgt.u32 v8, $0xFFFFFFFD;
	vm4 =	vmor vm4, vm5;
	vm7 =	vmor vm7, vm5  }
0x83: {  	vm7 =	vmor vm7, vm8  }
0x84: {  	v8 =	vsel vm7, $0xFFFFFFFF, v8  }
.Ltmp7:
0x85: {  	v7 =	vsel vm5, $0x0, v10;
	v9, _, _ =	vpop (xrf2);
	(pc) =	sbr.rel @p0 .LBB2_9-.Ltmp7, $4  }
0x86: {  	v6 =	vsel vm5, v9, v6;
	v10 =	vadd.f32 v9, v7;
	v7 =	vsel vm6, $0x0, v9  }
0x87: {  	s2 =	sadd.s32 $0x10, s2;
	v7 =	vshift.insert v7, v0, s20  }
0x88: {  	s17 =	sadd.s32 $0x10, s17;
	[tilespmem:s2+$0x0] =	vst v10;
	(ifvalue) =	ssetifvalue $0xFFFFFFFF  }
0x89: {  	[hbm4b:s1+s14] =	stream.indirect_vreg.scatter [tilespmem:s2], [sflag:$0x2], $0x1, v8, vm0, $0x4038;
	[tilespmem:$0x1320] =	vst v63  }
0x8a: {  	v3 =	vld [tilespmem:$0x10F0];
	_ =	sdelay $0x4  }
0x8b: {  	v3 =	vshift.insert v3, v0, s20;
	_ =	sdelay $0x1  }
0x8c: {  	[tilespmem:s24+$0x0] =	vst.msk $0x1, v3  }
0x8d: {  	v3 =	vsel vm4, $0x1, v1;
	[tilespmem:$0x90] =	vst v6  }
0x8e: {  	[tilespmem:$0xA0] =	vst v3  }
0x8f: {  	[spmem:s12] =	stream.linear.scatter [tilespmem:s25], [sflag:$0x1], $0x1, $0x38;
	[tilespmem:$0x1320] =	vst v63  }
0x90: {  	v3 =	vmctz.xlane vm4;
	_ =	swait.ge [sflag:s4], $0x1  }
0x91: {  	(v2sf) =	vpush v4, $0x0  }
0x92: {  	(v2sf) =	vpush v3, $0x0;
	_ =	sdelay $0xd  }
0x93: {  	s0 =	spop (v2sf)  }
0x94: {  	s2 =	spop (v2sf)  }
0x95: {  	[sflag:s4] =	ssyncset.done $0x0;
	p0 =	sne.s32 s30, s0;
	p1 =	slt.s32 s2, $0xF  }
0x96: {  	[sflag:s4] =	ssyncadd.s32 $0xFFFFFFFF;
	v3 =	vimm.s32 @!p0 $0xFFFFFFFF;
	s2 =	simm.s32 @!p1 $0xF  }
0x97: {  	[tilespmem:$0x80] =	vst @!p0 v3;
	s31 =	sadd.s32 $0x90, s2  }
0x98: {  	[spmem:s10] =	stream.linear.scatter [tilespmem:s31], [sflag:$0x1], $0x1, $0x38;
	[tilespmem:$0x1320] =	vst v63  }
0x99: {  	_ =	swait.ge [sflag:s4], $0x1  }
0x9a: {  	[sflag:s4] =	ssyncset.done $0x0  }
0x9b: {  	[sflag:s4] =	ssyncadd.s32 $0xFFFFFFFF  }
0x9c: {  	[spmem:s13] =	stream.linear.scatter [tilespmem:s26], [sflag:$0x1], $0x1, $0x38;
	[tilespmem:$0x1320] =	vst v63  }
0x9d: {  	_ =	swait.ge [sflag:s4], $0x1  }
0x9e: {  	[sflag:s4] =	ssyncset.done $0x0  }
0x9f: {  	[sflag:s4] =	ssyncadd.s32 $0xFFFFFFFF;
	(ifvalue) =	ssetifvalue $0xFFFFFFFF;
	v3 =	vld [tilespmem:$0x10];
	_ =	sdelay $0x3  }
.Ltmp8:
0xa0: {  	_ = 	snop;
	(pc) =	sbr.rel .LBB2_4-.Ltmp8, $3  }
0xa1: {  	_ =	sdelay $0x1  }
0xa2: {  	(ifvalue) =	ssetifvalue $0xFFFFFFFF  }
0xa3: {  	[hbm4b:s1+s14] =	stream.indirect_vreg.scatter [tilespmem:s19], [sflag:$0x9], $0x1, v3, vm0, $0x4038;
	[tilespmem:$0x1320] =	vst v63  }
.LBB2_12:
0xa4: {  	s0 =	simm.s32 $0x2  }
0xa5: {  	_ =	swait.ge [sflag:s0], $0x200  }
0xa6: {  	[sflag:s0] =	ssyncset.done $0x0  }
0xa7: {  	s31 =	simm.s32 $0x9;
	[sflag:s0] =	ssyncadd.s32 $0xFFFFFE00  }
0xa8: {  	_ =	swait.ge [sflag:s31], $0x10  }
0xa9: {  	[sflag:s31] =	ssyncset.done $0x0  }
0xaa: {  	[sflag:s31] =	ssyncadd.s32 $0xFFFFFFF0  }
.LBB2_13:
0xab: {  	_ =	sfence.sel $0x180000  }
0xac: {  	s0 =	simm.s32 $0x7;
	[bflag:$0x0] =	sbarrier.arrive $0xFFFF  }
0xad: {  	s26 =	simm.s32 $0x8;
	[sflag:s0] =	ssyncpa.u1 $0x1  }
0xae: {  	s28 =	simm.s32 $0x9;
	[sflag:s26] =	ssyncpa.u1 $0x1  }
0xaf: {  	[sflag:s28] =	ssyncpa.u1 $0x1  }
0xb0: {  	_ =	sfence.stream.spmem  }
0xb1: {  	s29 =	simm.s32 $0x3;
	[bflag:$0x0] =	sbarrier.arrive $0xFFFF  }
0xb2: {  	s30 =	simm.s32 $0x4;
	[sflag:s29] =	ssyncpa.u1 $0x1  }
0xb3: {  	s31 =	simm.s32 $0x3C;
	s2 =	stileid.u32;
	[sflag:s30] =	ssyncpa.u1 $0x1  }
0xb4: {  	p0 =	sne.s32 s2, $0x0;
	[sflag:s31] =	ssyncpa.u1 $0x1  }
0xb5: {  	s0 =	simm.s32 @p0 $0x1;
	_ =	sfence @p0  }
0xb6: {  	[sflag:s0] =	ssyncpa.u1 @p0 $0x1;
	s0 =	simm.s32 @p0 $0x2  }
0xb7: {  	[sflag:s0] =	ssyncpa.u1 @p0 $0x1  }
0xb8: {  	_ =	strace @p0 $0x90000047  }
0xb9: {  	[bflag:$0x2] =	sbarrier.arrive @p0 $0xFFFF  }
0xba: {  	_ =	shalt @p0  }
.LBB2_14:
0xbb: {  	_ =	sfence.stream.spmem;
	s0 =	simm.s32 $0x5  }
0xbc: {  	s2 =	simm.s32 $0x80;
	s3 =	simm.s32 $0xC0;
	[sflag:s0] =	ssyncpa.u1 $0x0  }
0xbd: {  	[tilespmem:s3], [sflag:$0x5] =	stream.linear.gather [spmem:s2], $0x20, $0x38;
	[tilespmem:$0x1320] =	vst v63  }
0xbe: {  	s2 =	simm.s32 $0x0;
	s3 =	simm.s32 $0xE0  }
0xbf: {  	[tilespmem:s3], [sflag:$0x5] =	stream.linear.gather [spmem:s2], $0x20, $0x38;
	[tilespmem:$0x1320] =	vst v63  }
.Ltmp9:
0xc0: {  	_ = 	snop;
	(pc) =	sbr.rel .LBB2_15-.Ltmp9, $4  }
0xc1: {  	_ =	swait.ge [sflag:s0], $0x40  }
0xc2: {  	[sflag:s0] =	ssyncset.done $0x0  }
0xc3: {  	s31 =	simm.s32 $0x6;
	[sflag:s0] =	ssyncadd.s32 $0xFFFFFFC0  }
0xc4: {  	s4 =	simm.s32 $0x0;
	[sflag:s31] =	ssyncpa.u1 $0x0  }
.LBB2_20:
0xc5: {  	p0 =	sgt.u32 s0, $0x7FFF  }
0xc6: {  	s5 =	sshrl.u32 @!p0 s0, $0x3  }
0xc7: {  	s0 =	sand.u32 @!p0 $0x7, s0;
	s6 =	simm.s32 @!p0 $0xB0;
	s5 =	sadd.s32 @!p0 s1, s5  }
0xc8: {  	[tilespmem:s6], [sflag:$0x6] =	stream.linear.gather @!p0 [hbm4b:s5+s0], $0x1, $0x38;
	[tilespmem:$0x1320] =	vst v63  }
0xc9: {  	s0 =	simm.s32 @!p0 $0x6  }
0xca: {  	_ =	swait.ge @!p0 [sflag:s0], $0x1  }
0xcb: {  	[sflag:s0] =	ssyncset.done @!p0 $0x0  }
0xcc: {  	[sflag:s0] =	ssyncadd.s32 @!p0 $0xFFFFFFFF  }
0xcd: {  	v2 =	vmov @!p0 s4;
	v1 =	vld.msk @!p0 [tilespmem:$0xB0], $0x1;
	_ =	sdelay $0x3  }
0xce: {  	s0 =	simm.s32 @!p0 $0xE0  }
0xcf: {  	[tilespmem:v2+s0+$0x0], v1 =	vst.idx.ret.add.f32.msk @!p0 $0x1, v1  }
0xd0: {  	[tilespmem:s2+$0xC0] =	vst.msk $0x1, v0  }
0xd1: {  	v0 =	vld.msk [tilespmem:s4+$0xE0], $0x1;
	_ =	sdelay $0x4  }
0xd2: {  	[tilespmem:s2+$0xE0] =	vst.msk $0x1, v0;
	s2 =	sadd.s32 $0x1, s2  }
.LBB2_22:
0xd3: {  	s4 =	sadd.s32 $0x1, s4  }
0xd4: {  	p0 =	sne.s32 s4, $0x20  }
.Ltmp10:
0xd5: {  	_ = 	snop;
	(pc) =	sbr.rel @!p0 .LBB2_23-.Ltmp10, $1  }
0xd6: {  	_ =	sdelay $0x3  }
.LBB2_15:
0xd7: {  	v0 =	vld.msk [tilespmem:s4+$0xC0], $0x1;
	_ =	sdelay $0x4  }
0xd8: {  	(v2sf) =	vpush v0, $0x0;
	_ =	sdelay $0xe  }
0xd9: {  	s0 =	spop (v2sf)  }
0xda: {  	p0 =	seq.s32 s0, $0xFFFFFFFF  }
.Ltmp11:
0xdb: {  	_ = 	snop;
	(pc) =	sbr.rel @p0 .LBB2_22-.Ltmp11, $1  }
0xdc: {  	_ =	sdelay $0x3  }
0xdd: {  	p0 =	slt.s32 s2, $0x1  }
.Ltmp12:
0xde: {  	_ = 	snop;
	(pc) =	sbr.rel @p0 .LBB2_20-.Ltmp12, $1  }
0xdf: {  	_ =	sdelay $0x3  }
0xe0: {  	s5 =	simm.s32 $0xC0;
	p0 =	por $0x0, $0x0  }
0xe1: {  	v1 =	vld.msk @!p0 [tilespmem:s5+$0x0], $0x1;
	_ =	sdelay $0x4  }
0xe2: {  	(v2sf) =	vpush @!p0 v1, $0x0;
	_ =	sdelay $0xd  }
0xe3: {  	p2 =	sne.s32 s2, $0x1  }
.Ltmp13:
0xe4: {  	s6 =	spop @!p0 (v2sf);
	(pc) =	sbr.rel @!p2 .LBB2_19-.Ltmp13, $4  }
0xe5: {  	p1 =	seq.s32 @!p0 s0, s6  }
0xe6: {  	s6 =	simm.s32 $0x0;
	p1 =	por !p1, p0  }
0xe7: {  	s8 =	simm.s32 $0xFFFFFFFF;
	s6 =	simm.s32 @p1 $0xFFFFFFFF  }
0xe8: {  	s7 =	simm.s32 $0x1;
	s6 =	smov.u32 @p0 s8  }
.LBB2_18:
0xe9: {  	s8 =	smov.u32 s6;
	p0 =	sne.s32 s6, $0xFFFFFFFF  }
0xea: {  	s5 =	sadd.s32 $0x1, s5;
	s6 =	smov.u32 s7;
	s7 =	sadd.s32 $0x1, s7  }
0xeb: {  	p1 =	sne.s32 s2, s7;
	v1 =	vld.msk @!p0 [tilespmem:s5+$0x0], $0x1;
	_ =	sdelay $0x4  }
0xec: {  	(v2sf) =	vpush @!p0 v1, $0x0;
	_ =	sdelay $0xe  }
.Ltmp14:
0xed: {  	s9 =	spop @!p0 (v2sf);
	(pc) =	sbr.rel @p1 .LBB2_18-.Ltmp14, $4  }
0xee: {  	p2 =	seq.s32 @!p0 s0, s9  }
0xef: {  	p2 =	por !p2, p0  }
0xf0: {  	s6 =	simm.s32 @p2 $0xFFFFFFFF  }
0xf1: {  	s6 =	smov.u32 @p0 s8  }
.LBB2_19:
0xf2: {  	p0 =	sne.s32 s6, $0xFFFFFFFF  }
.Ltmp15:
0xf3: {  	_ = 	snop;
	(pc) =	sbr.rel @!p0 .LBB2_20-.Ltmp15, $1  }
0xf4: {  	_ =	sdelay $0x3  }
0xf5: {  	v0 =	vld.msk [tilespmem:s4+$0xE0], $0x1;
	v1 =	vmov s6  }
.Ltmp16:
0xf6: {  	_ = 	snop;
	(pc) =	sbr.rel .LBB2_22-.Ltmp16, $2  }
0xf7: {  	_ =	sdelay $0x2  }
0xf8: {  	[tilespmem:v1+s3+$0x0], v0 =	vst.idx.ret.add.f32.msk $0x1, v0  }
.LBB2_23:
0xf9: {  	p0 =	slt.s32 s2, $0x1  }
.Ltmp17:
0xfa: {  	_ = 	snop;
	(pc) =	sbr.rel @p0 .LBB2_27-.Ltmp17, $3  }
0xfb: {  	_ =	sdelay $0x1  }
0xfc: {  	s0 =	simm.s32 $0x6  }
0xfd: {  	[sflag:s0] =	ssyncpa.u1 $0x1;
	s0 =	simm.s32 $0x0  }
0xfe: {  	s3 =	simm.s32 $0xC0  }
0xff: {  	v0 =	vld.msk [tilespmem:s3+$0x0], $0x1;
	_ =	sdelay $0x4  }
0x100: {  	(v2sf) =	vpush v0, $0x0;
	_ =	sdelay $0xe  }
0x101: {  	s2 =	sadd.s32 $0xFFFFFFFF, s2;
	s4 =	spop (v2sf)  }
0x102: {  	p1 =	sne.s32 s2, $0x0;
	p0 =	sgt.u32 s4, $0x7FFF  }
.Ltmp18:
0x103: {  	s5 =	sshrl.u32 @!p0 s4, $0x3;
	(pc) =	sbr.rel @!p1 .LBB2_26-.Ltmp18, $4  }
0x104: {  	s3 =	simm.s32 $0xE0;
	s4 =	sand.u32 @!p0 $0x7, s4;
	s5 =	sadd.s32 @!p0 s1, s5  }
0x105: {  	[hbm4b:s5+s4] =	stream.linear.scatter @!p0 [tilespmem:s3], [sflag:$0x5], $0x1, $0x38;
	[tilespmem:$0x1320] =	vst v63  }
0x106: {  	s5 =	simm.s32 $0x0  }
0x107: {  	s4 =	simm.s32 $0xC1;
	s5 =	simm.s32 @!p0 $0x4  }
.LBB2_25:
0x108: {  	v0 =	vld.msk [tilespmem:s4+$0x0], $0x1;
	s2 =	sadd.s32 $0xFFFFFFFF, s2;
	s0 =	sadd.s32 s0, s5  }
0x109: {  	p0 =	sne.s32 s2, $0x0;
	_ =	sdelay $0x3  }
0x10a: {  	(v2sf) =	vpush v0, $0x0;
	_ =	sdelay $0xe  }
.Ltmp19:
0x10b: {  	s6 =	spop (v2sf);
	(pc) =	sbr.rel @p0 .LBB2_25-.Ltmp19, $4  }
0x10c: {  	s5 =	simm.s32 $0x0;
	p1 =	sgt.u32 s6, $0x7FFF  }
0x10d: {  	s3 =	sadd.s32 $0x1, s3;
	s5 =	simm.s32 @!p1 $0x4;
	s7 =	sshrl.u32 @!p1 s6, $0x3  }
0x10e: {  	s4 =	sadd.s32 $0x1, s4;
	s6 =	sand.u32 @!p1 $0x7, s6;
	s7 =	sadd.s32 @!p1 s1, s7  }
0x10f: {  	[hbm4b:s7+s6] =	stream.linear.scatter @!p1 [tilespmem:s3], [sflag:$0x5], $0x1, $0x38;
	[tilespmem:$0x1320] =	vst v63  }
.LBB2_26:
0x110: {  	s0 =	sadd.s32 s0, s5  }
0x111: {  	s0 =	sshrl.u32 s0, $0x2  }
.LBB2_27:
0x112: {  	s1 =	simm.s32 $0x5  }
0x113: {  	_ =	swait.ge [sflag:s1], s0  }
0x114: {  	s28 =	ssub.s32 $0x0, s0;
	[sflag:s1] =	ssyncset.done $0x0  }
0x115: {  	[sflag:s1] =	ssyncadd.s32 s28  }
0x116: {  	[sflag:s1] =	ssyncpa.u1 $0x1  }
0x117: {  	s29 =	simm.s32 $0x1;
	_ =	sfence  }
0x118: {  	s30 =	simm.s32 $0x2;
	[sflag:s29] =	ssyncpa.u1 $0x1  }
0x119: {  	[sflag:s30] =	ssyncpa.u1 $0x1  }
0x11a: {  	_ =	strace $0x90000047  }
0x11b: {  	[bflag:$0x2] =	sbarrier.arrive $0xFFFF  }
0x11c: {  	s31 =	rddreg [dreg:$0x1]  }
0x11d: {  	s0 =	sadd.s32 $0x100000, s31  }
0x11e: {  	[sflag:s0] =	ssyncadd.tile.s32 $0x1;
	_ =	shalt  }
.Lfunc_end2:
_tile_overlayer_lowered:
.L_overlay_start_2:
0x11f: {  	(tag) =	ssettag $0x2  }
0x120: {  	s0 =	rddreg [dreg:$0x0];
	s2 =	stileid.u32  }
0x121: {  	s1 =	rddreg [dreg:$0x1];
	p0 =	sne.s32 s2, $0x0  }
0x122: {  	s3 =	rddreg [dreg:$0x2];
	[bflag:$0x3] =	sbarrier.arrive $0xFFFF;
	s2 =	simm.s32 @!p0 $0x1C01  }
0x123: {  	[timem:s3], [sflag:s2] =	dma.local @!p0 [hbm:s0], s1  }
0x124: {  	s0 =	simm.s32 @!p0 $0x1  }
0x125: {  	_ =	swait.ge @!p0 [sflag:s0], s1  }
0x126: {  	s1 =	ssub.s32 @!p0 $0x0, s1;
	[sflag:s0] =	ssyncset.done @!p0 $0x0  }
0x127: {  	[sflag:s0] =	ssyncadd.s32 @!p0 s1  }
0x128: {  	[bflag:$0x3] =	sbarrier.arrive $0xFFFF  }
0x129: {  	_ =	shalt  }

</sc_bundles>
